<compile_context>
chip_gen: v7x
topology: tpu7x:2x2x1
jax: 0.10.2.dev20260603
libtpu: 0.0.44.dev20260713+nightly
codegen_flags: <defaults>
</compile_context>

<pallas_src>
import functools

import jax
import jax.numpy as jnp
from jax import lax
from jax.experimental import pallas as pl
from jax.experimental.pallas import tpu as pltpu
from jax.experimental.pallas import tpu_sc as plsc

N_HEADS = 16
CARD_X = 1_000_000
N_TOTAL = 16384 * 200

NUM_CORES = 2
NUM_SUBCORES = 16
NUM_WORKERS = NUM_CORES * NUM_SUBCORES
PER_WORKER = N_TOTAL // NUM_WORKERS
WIN = 10240
NUM_WINS = PER_WORKER // WIN
HALF_WINS = NUM_WINS // 2


def _gather_body(tab_hbm, idx_hbm, out_hbm,
                 idx_v0, idx_v1, val_v0, val_v1,
                 si0, si1, sg0, sg1, so0, so1):
    cid = lax.axis_index("c")
    sid = lax.axis_index("s")
    wid = sid * NUM_CORES + cid
    base = wid * jnp.int32(PER_WORKER)

    idx_v = (idx_v0, idx_v1)
    val_v = (val_v0, val_v1)
    s_idx = (si0, si1)
    s_gat = (sg0, sg1)
    s_out = (so0, so1)

    def win(w):
        return pl.ds(base + w * jnp.int32(WIN), WIN)

    def start_idx(w, s):
        pltpu.async_copy(idx_hbm.at[win(w)], idx_v[s], s_idx[s])

    def wait_idx(w, s):
        pltpu.make_async_copy(idx_hbm.at[win(w)], idx_v[s], s_idx[s]).wait()

    def start_gather(s):
        pltpu.async_copy(tab_hbm.at[idx_v[s]], val_v[s], s_gat[s])

    def wait_gather(s):
        pltpu.make_async_copy(idx_hbm.at[win(jnp.int32(0))], val_v[s],
                              s_gat[s]).wait()

    def start_out(w, s):
        pltpu.async_copy(val_v[s], out_hbm.at[win(w)], s_out[s])

    def wait_out(w, s):
        pltpu.make_async_copy(val_v[s], out_hbm.at[win(w)], s_out[s]).wait()

    start_idx(jnp.int32(0), 0)
    start_idx(jnp.int32(1), 1)
    for s in (0, 1):
        w = jnp.int32(s)
        wait_idx(w, s)
        start_gather(s)
        wait_gather(s)
        start_out(w, s)
        start_idx(w + jnp.int32(2), s)

    def body(k, carry):
        for s in (0, 1):
            w = k * jnp.int32(2) + jnp.int32(s)
            wait_idx(w, s)
            wait_out(w - jnp.int32(2), s)
            start_gather(s)
            wait_gather(s)
            start_out(w, s)

            @pl.when(w + jnp.int32(2) < jnp.int32(NUM_WINS))
            def _():
                start_idx(w + jnp.int32(2), s)

        return carry

    lax.fori_loop(jnp.int32(1), jnp.int32(HALF_WINS), body, jnp.int32(0))

    wn = jnp.int32(NUM_WINS)
    wait_out(wn - jnp.int32(2), 0)
    wait_out(wn - jnp.int32(1), 1)


_sc_gather = functools.partial(
    pl.kernel,
    out_type=jax.ShapeDtypeStruct((N_TOTAL,), jnp.int32),
    mesh=plsc.VectorSubcoreMesh(core_axis_name="c", subcore_axis_name="s"),
    scratch_types=[
        pltpu.VMEM((WIN,), jnp.int32),
        pltpu.VMEM((WIN,), jnp.int32),
        pltpu.VMEM((WIN,), jnp.int32),
        pltpu.VMEM((WIN,), jnp.int32),
        pltpu.SemaphoreType.DMA,
        pltpu.SemaphoreType.DMA,
        pltpu.SemaphoreType.DMA,
        pltpu.SemaphoreType.DMA,
        pltpu.SemaphoreType.DMA,
        pltpu.SemaphoreType.DMA,
    ],
)(_gather_body)


def kernel(nuisances, i, idcs):
    row32 = lax.dynamic_index_in_dim(nuisances, i, 0, keepdims=False).astype(jnp.int32)
    g = idcs.astype(jnp.int32).reshape(-1)
    out32 = _sc_gather(row32, g)
    return out32.reshape(idcs.shape).astype(jnp.int64)

# --- scband reference (transcript-rebuilt; emitter-appended) ---
"""Pipeline reference for scband-naive-nuisance-getter-9388798509703 (READ-ONLY COPY).

The authoritative reference and input builder live on the scoring server;
editing this copy changes nothing except your own understanding.
"""

import jax, jax.numpy as jnp
import numpy as np

jax.config.update("jax_enable_x64", True)

N_HEADS = 16
CARD_X = 1000000
CARD_Y = 100000
BATCH = 16384
HIST = 200


def setup_inputs(seed: int = 0) -> dict:
    key = jax.random.key(seed)
    k_buf, k_idx = jax.random.split(key)
    # learned/registered buffer: nuisances [n_heads, cardinality_X] with values in [0, cardinality_Y)
    nuisances = jax.random.randint(k_buf, (N_HEADS, CARD_X), 0, CARD_Y, dtype=jnp.int64)
    idcs = jax.random.randint(k_idx, (BATCH, HIST), 0, CARD_X, dtype=jnp.int64)
    i = 3  # scalar head index (python int)
    return {"nuisances": nuisances, "i": i, "idcs": idcs}


def reference(nuisances, i, idcs):
    # Faithful translation of: self.nuisances[i, idcs]
    row = nuisances[i]  # [cardinality_X]
    return jnp.take(row, idcs, axis=0)  # [BATCH, HIST]

if __name__ == "__main__":
    import jax
    _d = setup_inputs()
    print(jax.jit(kernel)(*tuple(_d.values())))

</pallas_src>

<mosaic_0001>
#map = affine_map<(d0, d1) -> (0)>
module attributes {stable_mosaic.version = 14 : i64} {
  func.func @_gather_body(%arg0: i32, %arg1: i32, %arg2: memref<1000000xi32, #tpu.memory_space<hbm>>, %arg3: memref<3276800xi32, #tpu.memory_space<hbm>>, %arg4: memref<3276800xi32, #tpu.memory_space<hbm>>, %arg5: memref<10240xi32, #tpu.memory_space<vmem>>, %arg6: memref<10240xi32, #tpu.memory_space<vmem>>, %arg7: memref<10240xi32, #tpu.memory_space<vmem>>, %arg8: memref<10240xi32, #tpu.memory_space<vmem>>, %arg9: memref<!tpu.dma_semaphore, #tpu.memory_space<semaphore_mem>>, %arg10: memref<!tpu.dma_semaphore, #tpu.memory_space<semaphore_mem>>, %arg11: memref<!tpu.dma_semaphore, #tpu.memory_space<semaphore_mem>>, %arg12: memref<!tpu.dma_semaphore, #tpu.memory_space<semaphore_mem>>, %arg13: memref<!tpu.dma_semaphore, #tpu.memory_space<semaphore_mem>>, %arg14: memref<!tpu.dma_semaphore, #tpu.memory_space<semaphore_mem>>) attributes {dimension_semantics = [#tpu.dimension_semantics<core_parallel>, #tpu.dimension_semantics<subcore_parallel>], iteration_bounds = array<i64: 2, 16>, scalar_prefetch = 0 : i64, scratch_operands = 10 : i64, tpu.core_type = #tpu.core_type<sc_vector_subcore>, window_params = [{transform_indices = #map}, {transform_indices = #map}, {transform_indices = #map}]} {
    %mul3A = arith.constant 2 : i32
    %mul3A_0 = arith.muli %arg1, %mul3A : i32
    %add3A = arith.addi %mul3A_0, %arg0 : i32
    %mul3A_1 = arith.constant 102400 : i32
    %mul3A_2 = arith.muli %add3A, %mul3A_1 : i32
    %mul3A_3 = arith.constant 0 : i32
    %mul3A_4 = arith.constant 10240 : i32
    %mul3A_5 = arith.muli %mul3A_3, %mul3A_4 : i32
    %add3A_6 = arith.addi %mul3A_2, %mul3A_5 : i32
    %dma_start3A = tpu.memref_slice %arg3[%add3A_6] : memref<3276800xi32, #tpu.memory_space<hbm>> -> memref<10240xi32, #tpu.memory_space<hbm>>
    %dma_start3A_7 = tpu.memref_slice %arg3[%add3A_6] : memref<3276800xi32, #tpu.memory_space<hbm>> -> memref<10240xi32, #tpu.memory_space<hbm>>
    tpu.enqueue_dma source(%dma_start3A_7 : memref<10240xi32, #tpu.memory_space<hbm>>) target(%arg5 : memref<10240xi32, #tpu.memory_space<vmem>>) target_semaphore(%arg9 : memref<!tpu.dma_semaphore, #tpu.memory_space<semaphore_mem>>)
    %mul3A_8 = arith.constant 1 : i32
    %mul3A_9 = arith.constant 10240 : i32
    %mul3A_10 = arith.muli %mul3A_8, %mul3A_9 : i32
    %add3A_11 = arith.addi %mul3A_2, %mul3A_10 : i32
    %dma_start3A_12 = tpu.memref_slice %arg3[%add3A_11] : memref<3276800xi32, #tpu.memory_space<hbm>> -> memref<10240xi32, #tpu.memory_space<hbm>>
    %dma_start3A_13 = tpu.memref_slice %arg3[%add3A_11] : memref<3276800xi32, #tpu.memory_space<hbm>> -> memref<10240xi32, #tpu.memory_space<hbm>>
    tpu.enqueue_dma source(%dma_start3A_13 : memref<10240xi32, #tpu.memory_space<hbm>>) target(%arg6 : memref<10240xi32, #tpu.memory_space<vmem>>) target_semaphore(%arg10 : memref<!tpu.dma_semaphore, #tpu.memory_space<semaphore_mem>>)
    %mul3A_14 = arith.constant 0 : i32
    %mul3A_15 = arith.constant 10240 : i32
    %mul3A_16 = arith.muli %mul3A_14, %mul3A_15 : i32
    %add3A_17 = arith.addi %mul3A_2, %mul3A_16 : i32
    %dma_wait3A = tpu.memref_slice %arg3[%add3A_17] : memref<3276800xi32, #tpu.memory_space<hbm>> -> memref<10240xi32, #tpu.memory_space<hbm>>
    %dma_wait3A_18 = tpu.memref_slice %arg3[%add3A_17] : memref<3276800xi32, #tpu.memory_space<hbm>> -> memref<10240xi32, #tpu.memory_space<hbm>>
    tpu.wait_dma2 semaphore(%arg9 : memref<!tpu.dma_semaphore, #tpu.memory_space<semaphore_mem>>) src(%dma_wait3A_18 : memref<10240xi32, #tpu.memory_space<hbm>>) dst(%arg5 : memref<10240xi32, #tpu.memory_space<vmem>>)
    %dma_start3A_19 = arith.constant 0 : i32
    %dma_start3A_20 = tpu.memref_slice %arg2[%dma_start3A_19] : memref<1000000xi32, #tpu.memory_space<hbm>> -> memref<1000000xi32, #tpu.memory_space<hbm>>
    tpu.enqueue_indirect_dma source(%dma_start3A_20 : memref<1000000xi32, #tpu.memory_space<hbm>>) target(%arg7 : memref<10240xi32, #tpu.memory_space<vmem>>) offsets(%arg5 : memref<10240xi32, #tpu.memory_space<vmem>>) semaphore(%arg11 : memref<!tpu.dma_semaphore, #tpu.memory_space<semaphore_mem>>)
    %mul3A_21 = arith.constant 0 : i32
    %mul3A_22 = arith.constant 10240 : i32
    %mul3A_23 = arith.muli %mul3A_21, %mul3A_22 : i32
    %add3A_24 = arith.addi %mul3A_2, %mul3A_23 : i32
    %dma_wait3A_25 = tpu.memref_slice %arg3[%add3A_24] : memref<3276800xi32, #tpu.memory_space<hbm>> -> memref<10240xi32, #tpu.memory_space<hbm>>
    %dma_wait3A_26 = tpu.memref_slice %arg3[%add3A_24] : memref<3276800xi32, #tpu.memory_space<hbm>> -> memref<10240xi32, #tpu.memory_space<hbm>>
    tpu.wait_dma2 semaphore(%arg11 : memref<!tpu.dma_semaphore, #tpu.memory_space<semaphore_mem>>) src(%dma_wait3A_26 : memref<10240xi32, #tpu.memory_space<hbm>>) dst(%arg7 : memref<10240xi32, #tpu.memory_space<vmem>>)
    %mul3A_27 = arith.constant 0 : i32
    %mul3A_28 = arith.constant 10240 : i32
    %mul3A_29 = arith.muli %mul3A_27, %mul3A_28 : i32
    %add3A_30 = arith.addi %mul3A_2, %mul3A_29 : i32
    %dma_start3A_31 = tpu.memref_slice %arg4[%add3A_30] : memref<3276800xi32, #tpu.memory_space<hbm>> -> memref<10240xi32, #tpu.memory_space<hbm>>
    %dma_start3A_32 = tpu.memref_slice %arg4[%add3A_30] : memref<3276800xi32, #tpu.memory_space<hbm>> -> memref<10240xi32, #tpu.memory_space<hbm>>
    tpu.enqueue_dma source(%arg7 : memref<10240xi32, #tpu.memory_space<vmem>>) target(%dma_start3A_32 : memref<10240xi32, #tpu.memory_space<hbm>>) target_semaphore(%arg13 : memref<!tpu.dma_semaphore, #tpu.memory_space<semaphore_mem>>)
    %add3A_33 = arith.constant 0 : i32
    %add3A_34 = arith.constant 2 : i32
    %add3A_35 = arith.addi %add3A_33, %add3A_34 : i32
    %mul3A_36 = arith.constant 10240 : i32
    %mul3A_37 = arith.muli %add3A_35, %mul3A_36 : i32
    %add3A_38 = arith.addi %mul3A_2, %mul3A_37 : i32
    %dma_start3A_39 = tpu.memref_slice %arg3[%add3A_38] : memref<3276800xi32, #tpu.memory_space<hbm>> -> memref<10240xi32, #tpu.memory_space<hbm>>
    %dma_start3A_40 = tpu.memref_slice %arg3[%add3A_38] : memref<3276800xi32, #tpu.memory_space<hbm>> -> memref<10240xi32, #tpu.memory_space<hbm>>
    tpu.enqueue_dma source(%dma_start3A_40 : memref<10240xi32, #tpu.memory_space<hbm>>) target(%arg5 : memref<10240xi32, #tpu.memory_space<vmem>>) target_semaphore(%arg9 : memref<!tpu.dma_semaphore, #tpu.memory_space<semaphore_mem>>)
    %mul3A_41 = arith.constant 1 : i32
    %mul3A_42 = arith.constant 10240 : i32
    %mul3A_43 = arith.muli %mul3A_41, %mul3A_42 : i32
    %add3A_44 = arith.addi %mul3A_2, %mul3A_43 : i32
    %dma_wait3A_45 = tpu.memref_slice %arg3[%add3A_44] : memref<3276800xi32, #tpu.memory_space<hbm>> -> memref<10240xi32, #tpu.memory_space<hbm>>
    %dma_wait3A_46 = tpu.memref_slice %arg3[%add3A_44] : memref<3276800xi32, #tpu.memory_space<hbm>> -> memref<10240xi32, #tpu.memory_space<hbm>>
    tpu.wait_dma2 semaphore(%arg10 : memref<!tpu.dma_semaphore, #tpu.memory_space<semaphore_mem>>) src(%dma_wait3A_46 : memref<10240xi32, #tpu.memory_space<hbm>>) dst(%arg6 : memref<10240xi32, #tpu.memory_space<vmem>>)
    %dma_start3A_47 = arith.constant 0 : i32
    %dma_start3A_48 = tpu.memref_slice %arg2[%dma_start3A_47] : memref<1000000xi32, #tpu.memory_space<hbm>> -> memref<1000000xi32, #tpu.memory_space<hbm>>
    tpu.enqueue_indirect_dma source(%dma_start3A_48 : memref<1000000xi32, #tpu.memory_space<hbm>>) target(%arg8 : memref<10240xi32, #tpu.memory_space<vmem>>) offsets(%arg6 : memref<10240xi32, #tpu.memory_space<vmem>>) semaphore(%arg12 : memref<!tpu.dma_semaphore, #tpu.memory_space<semaphore_mem>>)
    %mul3A_49 = arith.constant 0 : i32
    %mul3A_50 = arith.constant 10240 : i32
    %mul3A_51 = arith.muli %mul3A_49, %mul3A_50 : i32
    %add3A_52 = arith.addi %mul3A_2, %mul3A_51 : i32
    %dma_wait3A_53 = tpu.memref_slice %arg3[%add3A_52] : memref<3276800xi32, #tpu.memory_space<hbm>> -> memref<10240xi32, #tpu.memory_space<hbm>>
    %dma_wait3A_54 = tpu.memref_slice %arg3[%add3A_52] : memref<3276800xi32, #tpu.memory_space<hbm>> -> memref<10240xi32, #tpu.memory_space<hbm>>
    tpu.wait_dma2 semaphore(%arg12 : memref<!tpu.dma_semaphore, #tpu.memory_space<semaphore_mem>>) src(%dma_wait3A_54 : memref<10240xi32, #tpu.memory_space<hbm>>) dst(%arg8 : memref<10240xi32, #tpu.memory_space<vmem>>)
    %mul3A_55 = arith.constant 1 : i32
    %mul3A_56 = arith.constant 10240 : i32
    %mul3A_57 = arith.muli %mul3A_55, %mul3A_56 : i32
    %add3A_58 = arith.addi %mul3A_2, %mul3A_57 : i32
    %dma_start3A_59 = tpu.memref_slice %arg4[%add3A_58] : memref<3276800xi32, #tpu.memory_space<hbm>> -> memref<10240xi32, #tpu.memory_space<hbm>>
    %dma_start3A_60 = tpu.memref_slice %arg4[%add3A_58] : memref<3276800xi32, #tpu.memory_space<hbm>> -> memref<10240xi32, #tpu.memory_space<hbm>>
    tpu.enqueue_dma source(%arg8 : memref<10240xi32, #tpu.memory_space<vmem>>) target(%dma_start3A_60 : memref<10240xi32, #tpu.memory_space<hbm>>) target_semaphore(%arg14 : memref<!tpu.dma_semaphore, #tpu.memory_space<semaphore_mem>>)
    %add3A_61 = arith.constant 1 : i32
    %add3A_62 = arith.constant 2 : i32
    %add3A_63 = arith.addi %add3A_61, %add3A_62 : i32
    %mul3A_64 = arith.constant 10240 : i32
    %mul3A_65 = arith.muli %add3A_63, %mul3A_64 : i32
    %add3A_66 = arith.addi %mul3A_2, %mul3A_65 : i32
    %dma_start3A_67 = tpu.memref_slice %arg3[%add3A_66] : memref<3276800xi32, #tpu.memory_space<hbm>> -> memref<10240xi32, #tpu.memory_space<hbm>>
    %dma_start3A_68 = tpu.memref_slice %arg3[%add3A_66] : memref<3276800xi32, #tpu.memory_space<hbm>> -> memref<10240xi32, #tpu.memory_space<hbm>>
    tpu.enqueue_dma source(%dma_start3A_68 : memref<10240xi32, #tpu.memory_space<hbm>>) target(%arg6 : memref<10240xi32, #tpu.memory_space<vmem>>) target_semaphore(%arg10 : memref<!tpu.dma_semaphore, #tpu.memory_space<semaphore_mem>>)
    %while3A = arith.constant 0 : i32
    %while3A_69 = arith.constant 1 : i32
    %while3A_70 = arith.constant 5 : i32
    %while3A_71 = arith.subi %while3A_70, %while3A_69 : i32
    %while3A_72 = arith.addi %while3A_69, %while3A_71 : i32
    %while3A_73 = arith.constant 1 : i32
    %while3A_74 = arith.divsi %while3A_71, %while3A_73 : i32
    %while3A_75 = arith.muli %while3A_74, %while3A_73 : i32
    %while3A_76 = arith.addi %while3A_69, %while3A_75 : i32
    %while3A_77 = arith.constant 1 : i32
    scf.for %while3A_94 = %while3A_69 to %while3A_76 step %while3A_77  : i32 {
      %mul3A_95 = arith.constant 2 : i32
      %mul3A_96 = arith.muli %while3A_94, %mul3A_95 : i32
      %add3A_97 = arith.constant 0 : i32
      %add3A_98 = arith.addi %mul3A_96, %add3A_97 : i32
      %mul3A_99 = arith.constant 10240 : i32
      %mul3A_100 = arith.muli %add3A_98, %mul3A_99 : i32
      %add3A_101 = arith.addi %mul3A_2, %mul3A_100 : i32
      %dma_wait3A_102 = tpu.memref_slice %arg3[%add3A_101] : memref<3276800xi32, #tpu.memory_space<hbm>> -> memref<10240xi32, #tpu.memory_space<hbm>>
      %dma_wait3A_103 = tpu.memref_slice %arg3[%add3A_101] : memref<3276800xi32, #tpu.memory_space<hbm>> -> memref<10240xi32, #tpu.memory_space<hbm>>
      tpu.wait_dma2 semaphore(%arg9 : memref<!tpu.dma_semaphore, #tpu.memory_space<semaphore_mem>>) src(%dma_wait3A_103 : memref<10240xi32, #tpu.memory_space<hbm>>) dst(%arg5 : memref<10240xi32, #tpu.memory_space<vmem>>)
      %sub3A_104 = arith.constant 2 : i32
      %sub3A_105 = arith.subi %add3A_98, %sub3A_104 : i32
      %mul3A_106 = arith.constant 10240 : i32
      %mul3A_107 = arith.muli %sub3A_105, %mul3A_106 : i32
      %add3A_108 = arith.addi %mul3A_2, %mul3A_107 : i32
      %dma_wait3A_109 = tpu.memref_slice %arg4[%add3A_108] : memref<3276800xi32, #tpu.memory_space<hbm>> -> memref<10240xi32, #tpu.memory_space<hbm>>
      %dma_wait3A_110 = tpu.memref_slice %arg4[%add3A_108] : memref<3276800xi32, #tpu.memory_space<hbm>> -> memref<10240xi32, #tpu.memory_space<hbm>>
      tpu.wait_dma2 semaphore(%arg13 : memref<!tpu.dma_semaphore, #tpu.memory_space<semaphore_mem>>) src(%arg7 : memref<10240xi32, #tpu.memory_space<vmem>>) dst(%dma_wait3A_110 : memref<10240xi32, #tpu.memory_space<hbm>>)
      %dma_start3A_111 = arith.constant 0 : i32
      %dma_start3A_112 = tpu.memref_slice %arg2[%dma_start3A_111] : memref<1000000xi32, #tpu.memory_space<hbm>> -> memref<1000000xi32, #tpu.memory_space<hbm>>
      tpu.enqueue_indirect_dma source(%dma_start3A_112 : memref<1000000xi32, #tpu.memory_space<hbm>>) target(%arg7 : memref<10240xi32, #tpu.memory_space<vmem>>) offsets(%arg5 : memref<10240xi32, #tpu.memory_space<vmem>>) semaphore(%arg11 : memref<!tpu.dma_semaphore, #tpu.memory_space<semaphore_mem>>)
      %mul3A_113 = arith.constant 0 : i32
      %mul3A_114 = arith.constant 10240 : i32
      %mul3A_115 = arith.muli %mul3A_113, %mul3A_114 : i32
      %add3A_116 = arith.addi %mul3A_2, %mul3A_115 : i32
      %dma_wait3A_117 = tpu.memref_slice %arg3[%add3A_116] : memref<3276800xi32, #tpu.memory_space<hbm>> -> memref<10240xi32, #tpu.memory_space<hbm>>
      %dma_wait3A_118 = tpu.memref_slice %arg3[%add3A_116] : memref<3276800xi32, #tpu.memory_space<hbm>> -> memref<10240xi32, #tpu.memory_space<hbm>>
      tpu.wait_dma2 semaphore(%arg11 : memref<!tpu.dma_semaphore, #tpu.memory_space<semaphore_mem>>) src(%dma_wait3A_118 : memref<10240xi32, #tpu.memory_space<hbm>>) dst(%arg7 : memref<10240xi32, #tpu.memory_space<vmem>>)
      %mul3A_119 = arith.constant 10240 : i32
      %mul3A_120 = arith.muli %add3A_98, %mul3A_119 : i32
      %add3A_121 = arith.addi %mul3A_2, %mul3A_120 : i32
      %dma_start3A_122 = tpu.memref_slice %arg4[%add3A_121] : memref<3276800xi32, #tpu.memory_space<hbm>> -> memref<10240xi32, #tpu.memory_space<hbm>>
      %dma_start3A_123 = tpu.memref_slice %arg4[%add3A_121] : memref<3276800xi32, #tpu.memory_space<hbm>> -> memref<10240xi32, #tpu.memory_space<hbm>>
      tpu.enqueue_dma source(%arg7 : memref<10240xi32, #tpu.memory_space<vmem>>) target(%dma_start3A_123 : memref<10240xi32, #tpu.memory_space<hbm>>) target_semaphore(%arg13 : memref<!tpu.dma_semaphore, #tpu.memory_space<semaphore_mem>>)
      %add3A_124 = arith.constant 2 : i32
      %add3A_125 = arith.addi %add3A_98, %add3A_124 : i32
      %lt3A = arith.constant 10 : i32
      %lt3A_126 = arith.cmpi slt, %add3A_125, %lt3A : i32
      %convert_element_type3A = arith.extui %lt3A_126 : i1 to i32
      %cond3A = arith.constant 0 : i32
      %cond3A_127 = arith.cmpi ne, %convert_element_type3A, %cond3A : i32
      scf.if %cond3A_127 {
        %add3A_164 = arith.constant 2 : i32
        %add3A_165 = arith.addi %add3A_98, %add3A_164 : i32
        %mul3A_166 = arith.constant 10240 : i32
        %mul3A_167 = arith.muli %add3A_165, %mul3A_166 : i32
        %add3A_168 = arith.addi %mul3A_2, %mul3A_167 : i32
        %dma_start3A_169 = tpu.memref_slice %arg3[%add3A_168] : memref<3276800xi32, #tpu.memory_space<hbm>> -> memref<10240xi32, #tpu.memory_space<hbm>>
        %dma_start3A_170 = tpu.memref_slice %arg3[%add3A_168] : memref<3276800xi32, #tpu.memory_space<hbm>> -> memref<10240xi32, #tpu.memory_space<hbm>>
        tpu.enqueue_dma source(%dma_start3A_170 : memref<10240xi32, #tpu.memory_space<hbm>>) target(%arg5 : memref<10240xi32, #tpu.memory_space<vmem>>) target_semaphore(%arg9 : memref<!tpu.dma_semaphore, #tpu.memory_space<semaphore_mem>>)
      } else {
      }
      %mul3A_128 = arith.constant 2 : i32
      %mul3A_129 = arith.muli %while3A_94, %mul3A_128 : i32
      %add3A_130 = arith.constant 1 : i32
      %add3A_131 = arith.addi %mul3A_129, %add3A_130 : i32
      %mul3A_132 = arith.constant 10240 : i32
      %mul3A_133 = arith.muli %add3A_131, %mul3A_132 : i32
      %add3A_134 = arith.addi %mul3A_2, %mul3A_133 : i32
      %dma_wait3A_135 = tpu.memref_slice %arg3[%add3A_134] : memref<3276800xi32, #tpu.memory_space<hbm>> -> memref<10240xi32, #tpu.memory_space<hbm>>
      %dma_wait3A_136 = tpu.memref_slice %arg3[%add3A_134] : memref<3276800xi32, #tpu.memory_space<hbm>> -> memref<10240xi32, #tpu.memory_space<hbm>>
      tpu.wait_dma2 semaphore(%arg10 : memref<!tpu.dma_semaphore, #tpu.memory_space<semaphore_mem>>) src(%dma_wait3A_136 : memref<10240xi32, #tpu.memory_space<hbm>>) dst(%arg6 : memref<10240xi32, #tpu.memory_space<vmem>>)
      %sub3A_137 = arith.constant 2 : i32
      %sub3A_138 = arith.subi %add3A_131, %sub3A_137 : i32
      %mul3A_139 = arith.constant 10240 : i32
      %mul3A_140 = arith.muli %sub3A_138, %mul3A_139 : i32
      %add3A_141 = arith.addi %mul3A_2, %mul3A_140 : i32
      %dma_wait3A_142 = tpu.memref_slice %arg4[%add3A_141] : memref<3276800xi32, #tpu.memory_space<hbm>> -> memref<10240xi32, #tpu.memory_space<hbm>>
      %dma_wait3A_143 = tpu.memref_slice %arg4[%add3A_141] : memref<3276800xi32, #tpu.memory_space<hbm>> -> memref<10240xi32, #tpu.memory_space<hbm>>
      tpu.wait_dma2 semaphore(%arg14 : memref<!tpu.dma_semaphore, #tpu.memory_space<semaphore_mem>>) src(%arg8 : memref<10240xi32, #tpu.memory_space<vmem>>) dst(%dma_wait3A_143 : memref<10240xi32, #tpu.memory_space<hbm>>)
      %dma_start3A_144 = arith.constant 0 : i32
      %dma_start3A_145 = tpu.memref_slice %arg2[%dma_start3A_144] : memref<1000000xi32, #tpu.memory_space<hbm>> -> memref<1000000xi32, #tpu.memory_space<hbm>>
      tpu.enqueue_indirect_dma source(%dma_start3A_145 : memref<1000000xi32, #tpu.memory_space<hbm>>) target(%arg8 : memref<10240xi32, #tpu.memory_space<vmem>>) offsets(%arg6 : memref<10240xi32, #tpu.memory_space<vmem>>) semaphore(%arg12 : memref<!tpu.dma_semaphore, #tpu.memory_space<semaphore_mem>>)
      %mul3A_146 = arith.constant 0 : i32
      %mul3A_147 = arith.constant 10240 : i32
      %mul3A_148 = arith.muli %mul3A_146, %mul3A_147 : i32
      %add3A_149 = arith.addi %mul3A_2, %mul3A_148 : i32
      %dma_wait3A_150 = tpu.memref_slice %arg3[%add3A_149] : memref<3276800xi32, #tpu.memory_space<hbm>> -> memref<10240xi32, #tpu.memory_space<hbm>>
      %dma_wait3A_151 = tpu.memref_slice %arg3[%add3A_149] : memref<3276800xi32, #tpu.memory_space<hbm>> -> memref<10240xi32, #tpu.memory_space<hbm>>
      tpu.wait_dma2 semaphore(%arg12 : memref<!tpu.dma_semaphore, #tpu.memory_space<semaphore_mem>>) src(%dma_wait3A_151 : memref<10240xi32, #tpu.memory_space<hbm>>) dst(%arg8 : memref<10240xi32, #tpu.memory_space<vmem>>)
      %mul3A_152 = arith.constant 10240 : i32
      %mul3A_153 = arith.muli %add3A_131, %mul3A_152 : i32
      %add3A_154 = arith.addi %mul3A_2, %mul3A_153 : i32
      %dma_start3A_155 = tpu.memref_slice %arg4[%add3A_154] : memref<3276800xi32, #tpu.memory_space<hbm>> -> memref<10240xi32, #tpu.memory_space<hbm>>
      %dma_start3A_156 = tpu.memref_slice %arg4[%add3A_154] : memref<3276800xi32, #tpu.memory_space<hbm>> -> memref<10240xi32, #tpu.memory_space<hbm>>
      tpu.enqueue_dma source(%arg8 : memref<10240xi32, #tpu.memory_space<vmem>>) target(%dma_start3A_156 : memref<10240xi32, #tpu.memory_space<hbm>>) target_semaphore(%arg14 : memref<!tpu.dma_semaphore, #tpu.memory_space<semaphore_mem>>)
      %add3A_157 = arith.constant 2 : i32
      %add3A_158 = arith.addi %add3A_131, %add3A_157 : i32
      %lt3A_159 = arith.constant 10 : i32
      %lt3A_160 = arith.cmpi slt, %add3A_158, %lt3A_159 : i32
      %convert_element_type3A_161 = arith.extui %lt3A_160 : i1 to i32
      %cond3A_162 = arith.constant 0 : i32
      %cond3A_163 = arith.cmpi ne, %convert_element_type3A_161, %cond3A_162 : i32
      scf.if %cond3A_163 {
        %add3A_164 = arith.constant 2 : i32
        %add3A_165 = arith.addi %add3A_131, %add3A_164 : i32
        %mul3A_166 = arith.constant 10240 : i32
        %mul3A_167 = arith.muli %add3A_165, %mul3A_166 : i32
        %add3A_168 = arith.addi %mul3A_2, %mul3A_167 : i32
        %dma_start3A_169 = tpu.memref_slice %arg3[%add3A_168] : memref<3276800xi32, #tpu.memory_space<hbm>> -> memref<10240xi32, #tpu.memory_space<hbm>>
        %dma_start3A_170 = tpu.memref_slice %arg3[%add3A_168] : memref<3276800xi32, #tpu.memory_space<hbm>> -> memref<10240xi32, #tpu.memory_space<hbm>>
        tpu.enqueue_dma source(%dma_start3A_170 : memref<10240xi32, #tpu.memory_space<hbm>>) target(%arg6 : memref<10240xi32, #tpu.memory_space<vmem>>) target_semaphore(%arg10 : memref<!tpu.dma_semaphore, #tpu.memory_space<semaphore_mem>>)
      } else {
      }
    }
    %while3A_78 = arith.constant 1 : i32
    scf.for %while3A_94 = %while3A_76 to %while3A_72 step %while3A_78  : i32 {
      %mul3A_95 = arith.constant 2 : i32
      %mul3A_96 = arith.muli %while3A_94, %mul3A_95 : i32
      %add3A_97 = arith.constant 0 : i32
      %add3A_98 = arith.addi %mul3A_96, %add3A_97 : i32
      %mul3A_99 = arith.constant 10240 : i32
      %mul3A_100 = arith.muli %add3A_98, %mul3A_99 : i32
      %add3A_101 = arith.addi %mul3A_2, %mul3A_100 : i32
      %dma_wait3A_102 = tpu.memref_slice %arg3[%add3A_101] : memref<3276800xi32, #tpu.memory_space<hbm>> -> memref<10240xi32, #tpu.memory_space<hbm>>
      %dma_wait3A_103 = tpu.memref_slice %arg3[%add3A_101] : memref<3276800xi32, #tpu.memory_space<hbm>> -> memref<10240xi32, #tpu.memory_space<hbm>>
      tpu.wait_dma2 semaphore(%arg9 : memref<!tpu.dma_semaphore, #tpu.memory_space<semaphore_mem>>) src(%dma_wait3A_103 : memref<10240xi32, #tpu.memory_space<hbm>>) dst(%arg5 : memref<10240xi32, #tpu.memory_space<vmem>>)
      %sub3A_104 = arith.constant 2 : i32
      %sub3A_105 = arith.subi %add3A_98, %sub3A_104 : i32
      %mul3A_106 = arith.constant 10240 : i32
      %mul3A_107 = arith.muli %sub3A_105, %mul3A_106 : i32
      %add3A_108 = arith.addi %mul3A_2, %mul3A_107 : i32
      %dma_wait3A_109 = tpu.memref_slice %arg4[%add3A_108] : memref<3276800xi32, #tpu.memory_space<hbm>> -> memref<10240xi32, #tpu.memory_space<hbm>>
      %dma_wait3A_110 = tpu.memref_slice %arg4[%add3A_108] : memref<3276800xi32, #tpu.memory_space<hbm>> -> memref<10240xi32, #tpu.memory_space<hbm>>
      tpu.wait_dma2 semaphore(%arg13 : memref<!tpu.dma_semaphore, #tpu.memory_space<semaphore_mem>>) src(%arg7 : memref<10240xi32, #tpu.memory_space<vmem>>) dst(%dma_wait3A_110 : memref<10240xi32, #tpu.memory_space<hbm>>)
      %dma_start3A_111 = arith.constant 0 : i32
      %dma_start3A_112 = tpu.memref_slice %arg2[%dma_start3A_111] : memref<1000000xi32, #tpu.memory_space<hbm>> -> memref<1000000xi32, #tpu.memory_space<hbm>>
      tpu.enqueue_indirect_dma source(%dma_start3A_112 : memref<1000000xi32, #tpu.memory_space<hbm>>) target(%arg7 : memref<10240xi32, #tpu.memory_space<vmem>>) offsets(%arg5 : memref<10240xi32, #tpu.memory_space<vmem>>) semaphore(%arg11 : memref<!tpu.dma_semaphore, #tpu.memory_space<semaphore_mem>>)
      %mul3A_113 = arith.constant 0 : i32
      %mul3A_114 = arith.constant 10240 : i32
      %mul3A_115 = arith.muli %mul3A_113, %mul3A_114 : i32
      %add3A_116 = arith.addi %mul3A_2, %mul3A_115 : i32
      %dma_wait3A_117 = tpu.memref_slice %arg3[%add3A_116] : memref<3276800xi32, #tpu.memory_space<hbm>> -> memref<10240xi32, #tpu.memory_space<hbm>>
      %dma_wait3A_118 = tpu.memref_slice %arg3[%add3A_116] : memref<3276800xi32, #tpu.memory_space<hbm>> -> memref<10240xi32, #tpu.memory_space<hbm>>
      tpu.wait_dma2 semaphore(%arg11 : memref<!tpu.dma_semaphore, #tpu.memory_space<semaphore_mem>>) src(%dma_wait3A_118 : memref<10240xi32, #tpu.memory_space<hbm>>) dst(%arg7 : memref<10240xi32, #tpu.memory_space<vmem>>)
      %mul3A_119 = arith.constant 10240 : i32
      %mul3A_120 = arith.muli %add3A_98, %mul3A_119 : i32
      %add3A_121 = arith.addi %mul3A_2, %mul3A_120 : i32
      %dma_start3A_122 = tpu.memref_slice %arg4[%add3A_121] : memref<3276800xi32, #tpu.memory_space<hbm>> -> memref<10240xi32, #tpu.memory_space<hbm>>
      %dma_start3A_123 = tpu.memref_slice %arg4[%add3A_121] : memref<3276800xi32, #tpu.memory_space<hbm>> -> memref<10240xi32, #tpu.memory_space<hbm>>
      tpu.enqueue_dma source(%arg7 : memref<10240xi32, #tpu.memory_space<vmem>>) target(%dma_start3A_123 : memref<10240xi32, #tpu.memory_space<hbm>>) target_semaphore(%arg13 : memref<!tpu.dma_semaphore, #tpu.memory_space<semaphore_mem>>)
      %add3A_124 = arith.constant 2 : i32
      %add3A_125 = arith.addi %add3A_98, %add3A_124 : i32
      %lt3A = arith.constant 10 : i32
      %lt3A_126 = arith.cmpi slt, %add3A_125, %lt3A : i32
      %convert_element_type3A = arith.extui %lt3A_126 : i1 to i32
      %cond3A = arith.constant 0 : i32
      %cond3A_127 = arith.cmpi ne, %convert_element_type3A, %cond3A : i32
      scf.if %cond3A_127 {
        %add3A_164 = arith.constant 2 : i32
        %add3A_165 = arith.addi %add3A_98, %add3A_164 : i32
        %mul3A_166 = arith.constant 10240 : i32
        %mul3A_167 = arith.muli %add3A_165, %mul3A_166 : i32
        %add3A_168 = arith.addi %mul3A_2, %mul3A_167 : i32
        %dma_start3A_169 = tpu.memref_slice %arg3[%add3A_168] : memref<3276800xi32, #tpu.memory_space<hbm>> -> memref<10240xi32, #tpu.memory_space<hbm>>
        %dma_start3A_170 = tpu.memref_slice %arg3[%add3A_168] : memref<3276800xi32, #tpu.memory_space<hbm>> -> memref<10240xi32, #tpu.memory_space<hbm>>
        tpu.enqueue_dma source(%dma_start3A_170 : memref<10240xi32, #tpu.memory_space<hbm>>) target(%arg5 : memref<10240xi32, #tpu.memory_space<vmem>>) target_semaphore(%arg9 : memref<!tpu.dma_semaphore, #tpu.memory_space<semaphore_mem>>)
      } else {
      }
      %mul3A_128 = arith.constant 2 : i32
      %mul3A_129 = arith.muli %while3A_94, %mul3A_128 : i32
      %add3A_130 = arith.constant 1 : i32
      %add3A_131 = arith.addi %mul3A_129, %add3A_130 : i32
      %mul3A_132 = arith.constant 10240 : i32
      %mul3A_133 = arith.muli %add3A_131, %mul3A_132 : i32
      %add3A_134 = arith.addi %mul3A_2, %mul3A_133 : i32
      %dma_wait3A_135 = tpu.memref_slice %arg3[%add3A_134] : memref<3276800xi32, #tpu.memory_space<hbm>> -> memref<10240xi32, #tpu.memory_space<hbm>>
      %dma_wait3A_136 = tpu.memref_slice %arg3[%add3A_134] : memref<3276800xi32, #tpu.memory_space<hbm>> -> memref<10240xi32, #tpu.memory_space<hbm>>
      tpu.wait_dma2 semaphore(%arg10 : memref<!tpu.dma_semaphore, #tpu.memory_space<semaphore_mem>>) src(%dma_wait3A_136 : memref<10240xi32, #tpu.memory_space<hbm>>) dst(%arg6 : memref<10240xi32, #tpu.memory_space<vmem>>)
      %sub3A_137 = arith.constant 2 : i32
      %sub3A_138 = arith.subi %add3A_131, %sub3A_137 : i32
      %mul3A_139 = arith.constant 10240 : i32
      %mul3A_140 = arith.muli %sub3A_138, %mul3A_139 : i32
      %add3A_141 = arith.addi %mul3A_2, %mul3A_140 : i32
      %dma_wait3A_142 = tpu.memref_slice %arg4[%add3A_141] : memref<3276800xi32, #tpu.memory_space<hbm>> -> memref<10240xi32, #tpu.memory_space<hbm>>
      %dma_wait3A_143 = tpu.memref_slice %arg4[%add3A_141] : memref<3276800xi32, #tpu.memory_space<hbm>> -> memref<10240xi32, #tpu.memory_space<hbm>>
      tpu.wait_dma2 semaphore(%arg14 : memref<!tpu.dma_semaphore, #tpu.memory_space<semaphore_mem>>) src(%arg8 : memref<10240xi32, #tpu.memory_space<vmem>>) dst(%dma_wait3A_143 : memref<10240xi32, #tpu.memory_space<hbm>>)
      %dma_start3A_144 = arith.constant 0 : i32
      %dma_start3A_145 = tpu.memref_slice %arg2[%dma_start3A_144] : memref<1000000xi32, #tpu.memory_space<hbm>> -> memref<1000000xi32, #tpu.memory_space<hbm>>
      tpu.enqueue_indirect_dma source(%dma_start3A_145 : memref<1000000xi32, #tpu.memory_space<hbm>>) target(%arg8 : memref<10240xi32, #tpu.memory_space<vmem>>) offsets(%arg6 : memref<10240xi32, #tpu.memory_space<vmem>>) semaphore(%arg12 : memref<!tpu.dma_semaphore, #tpu.memory_space<semaphore_mem>>)
      %mul3A_146 = arith.constant 0 : i32
      %mul3A_147 = arith.constant 10240 : i32
      %mul3A_148 = arith.muli %mul3A_146, %mul3A_147 : i32
      %add3A_149 = arith.addi %mul3A_2, %mul3A_148 : i32
      %dma_wait3A_150 = tpu.memref_slice %arg3[%add3A_149] : memref<3276800xi32, #tpu.memory_space<hbm>> -> memref<10240xi32, #tpu.memory_space<hbm>>
      %dma_wait3A_151 = tpu.memref_slice %arg3[%add3A_149] : memref<3276800xi32, #tpu.memory_space<hbm>> -> memref<10240xi32, #tpu.memory_space<hbm>>
      tpu.wait_dma2 semaphore(%arg12 : memref<!tpu.dma_semaphore, #tpu.memory_space<semaphore_mem>>) src(%dma_wait3A_151 : memref<10240xi32, #tpu.memory_space<hbm>>) dst(%arg8 : memref<10240xi32, #tpu.memory_space<vmem>>)
      %mul3A_152 = arith.constant 10240 : i32
      %mul3A_153 = arith.muli %add3A_131, %mul3A_152 : i32
      %add3A_154 = arith.addi %mul3A_2, %mul3A_153 : i32
      %dma_start3A_155 = tpu.memref_slice %arg4[%add3A_154] : memref<3276800xi32, #tpu.memory_space<hbm>> -> memref<10240xi32, #tpu.memory_space<hbm>>
      %dma_start3A_156 = tpu.memref_slice %arg4[%add3A_154] : memref<3276800xi32, #tpu.memory_space<hbm>> -> memref<10240xi32, #tpu.memory_space<hbm>>
      tpu.enqueue_dma source(%arg8 : memref<10240xi32, #tpu.memory_space<vmem>>) target(%dma_start3A_156 : memref<10240xi32, #tpu.memory_space<hbm>>) target_semaphore(%arg14 : memref<!tpu.dma_semaphore, #tpu.memory_space<semaphore_mem>>)
      %add3A_157 = arith.constant 2 : i32
      %add3A_158 = arith.addi %add3A_131, %add3A_157 : i32
      %lt3A_159 = arith.constant 10 : i32
      %lt3A_160 = arith.cmpi slt, %add3A_158, %lt3A_159 : i32
      %convert_element_type3A_161 = arith.extui %lt3A_160 : i1 to i32
      %cond3A_162 = arith.constant 0 : i32
      %cond3A_163 = arith.cmpi ne, %convert_element_type3A_161, %cond3A_162 : i32
      scf.if %cond3A_163 {
        %add3A_164 = arith.constant 2 : i32
        %add3A_165 = arith.addi %add3A_131, %add3A_164 : i32
        %mul3A_166 = arith.constant 10240 : i32
        %mul3A_167 = arith.muli %add3A_165, %mul3A_166 : i32
        %add3A_168 = arith.addi %mul3A_2, %mul3A_167 : i32
        %dma_start3A_169 = tpu.memref_slice %arg3[%add3A_168] : memref<3276800xi32, #tpu.memory_space<hbm>> -> memref<10240xi32, #tpu.memory_space<hbm>>
        %dma_start3A_170 = tpu.memref_slice %arg3[%add3A_168] : memref<3276800xi32, #tpu.memory_space<hbm>> -> memref<10240xi32, #tpu.memory_space<hbm>>
        tpu.enqueue_dma source(%dma_start3A_170 : memref<10240xi32, #tpu.memory_space<hbm>>) target(%arg6 : memref<10240xi32, #tpu.memory_space<vmem>>) target_semaphore(%arg10 : memref<!tpu.dma_semaphore, #tpu.memory_space<semaphore_mem>>)
      } else {
      }
    }
    %sub3A = arith.constant 10 : i32
    %sub3A_79 = arith.constant 2 : i32
    %sub3A_80 = arith.subi %sub3A, %sub3A_79 : i32
    %mul3A_81 = arith.constant 10240 : i32
    %mul3A_82 = arith.muli %sub3A_80, %mul3A_81 : i32
    %add3A_83 = arith.addi %mul3A_2, %mul3A_82 : i32
    %dma_wait3A_84 = tpu.memref_slice %arg4[%add3A_83] : memref<3276800xi32, #tpu.memory_space<hbm>> -> memref<10240xi32, #tpu.memory_space<hbm>>
    %dma_wait3A_85 = tpu.memref_slice %arg4[%add3A_83] : memref<3276800xi32, #tpu.memory_space<hbm>> -> memref<10240xi32, #tpu.memory_space<hbm>>
    tpu.wait_dma2 semaphore(%arg13 : memref<!tpu.dma_semaphore, #tpu.memory_space<semaphore_mem>>) src(%arg7 : memref<10240xi32, #tpu.memory_space<vmem>>) dst(%dma_wait3A_85 : memref<10240xi32, #tpu.memory_space<hbm>>)
    %sub3A_86 = arith.constant 10 : i32
    %sub3A_87 = arith.constant 1 : i32
    %sub3A_88 = arith.subi %sub3A_86, %sub3A_87 : i32
    %mul3A_89 = arith.constant 10240 : i32
    %mul3A_90 = arith.muli %sub3A_88, %mul3A_89 : i32
    %add3A_91 = arith.addi %mul3A_2, %mul3A_90 : i32
    %dma_wait3A_92 = tpu.memref_slice %arg4[%add3A_91] : memref<3276800xi32, #tpu.memory_space<hbm>> -> memref<10240xi32, #tpu.memory_space<hbm>>
    %dma_wait3A_93 = tpu.memref_slice %arg4[%add3A_91] : memref<3276800xi32, #tpu.memory_space<hbm>> -> memref<10240xi32, #tpu.memory_space<hbm>>
    tpu.wait_dma2 semaphore(%arg14 : memref<!tpu.dma_semaphore, #tpu.memory_space<semaphore_mem>>) src(%arg8 : memref<10240xi32, #tpu.memory_space<vmem>>) dst(%dma_wait3A_93 : memref<10240xi32, #tpu.memory_space<hbm>>)
    return
  }
}

</mosaic_0001>

<sc_bundles>
// kernel: kernel.3.cloned.1.call-start
scs
__scs_entry_jumppad:
0x0: {  	(pc) =	sbr.rel $0x88, $3  }
0x1: {  	(tag) =	ssettag $0x0;
	lr =	simm.s32 $0x1  }
0x2: {  	[smem:$0x3F9E] =	sst lr;
	_ =	strace $0xD0000000  }
0x3: {  	_ = 	snop  }
0x4: {  	_ = 	snop  }
0x5: {  	_ = 	snop  }
0x6: {  	_ = 	snop  }
0x7: {  	_ = 	snop  }
__scs_overlays_trampoline_lowered:
0x8: {  	[smem:$0x3FAD] =	sst s0  }
0x9: {  	[smem:$0x3FAE] =	sst s1  }
0xa: {  	[smem:$0x3FAF] =	sst s2  }
0xb: {  	[smem:$0x3FB0] =	sst s3  }
0xc: {  	[smem:$0x3FB1] =	sst s4  }
0xd: {  	[smem:$0x3FB2] =	sst s5  }
0xe: {  	[smem:$0x3FB3] =	sst s6  }
0xf: {  	[smem:$0x3FB4] =	sst s7  }
0x10: {  	[smem:$0x3FB5] =	sst s8  }
0x11: {  	[smem:$0x3FB6] =	sst s9;
	s0 =	simm.s32 @!p0 $0x0  }
0x12: {  	s1 =	sld [smem:$0x3F9C];
	s0 =	simm.s32 @p0 $0x1  }
0x13: {  	[smem:$0x3FB7] =	sst s0;
	s0 =	simm.s32 @!p1 $0x0  }
0x14: {  	s2 =	sld [smem:$0x3F9B];
	s0 =	simm.s32 @p1 $0x1  }
0x15: {  	[smem:$0x3FB8] =	sst s0;
	s0 =	simm.s32 @!p2 $0x0  }
0x16: {  	s3 =	sld [smem:$0x3FDB];
	s0 =	simm.s32 @p2 $0x1  }
0x17: {  	s4 =	simm.s32 $0x1BF5;
	[smem:$0x3FBA] =	sst s0  }
0x18: {  	s0 =	sld [smem:$0x3F9D];
	_ =	swait.ge [sflag:s4], $0x0  }
0x19: {  	s7 =	sld [smem:$0x3F9E]  }
0x1a: {  	s8 =	sadd.s32 $0xFFFFE003, lr  }
0x1b: {  	s9 =	sadd.s32 $0xFFFFFEF7, lr;
	s5 =	simm.s32 $0xFFFFFFFF;
	p2 =	slt.u32 s8, $0xFFFFF086  }
0x1c: {  	p1 =	slt.u32 s9, $0xF7A;
	s5 =	simm.s32 @!p2 $0x0  }
0x1d: {  	s5 =	simm.s32 @p1 $0x1;
	p0 =	seq.s32 s7, s2  }
0x1e: {  	s7 =	smul.u32 @!p0 $0xF7A, s2;
	p2 =	seq.s32 @!p0 s5, $0x0  }
0x1f: {  	s9 =	smul.u32 $0xF7A, s1;
	s8 =	simm.s32 @!p0 $0x1BF5;
	p2 =	por !p2, p0  }
0x20: {  	[sflag:s8] =	ssyncset.s32 @!p0 $0xFFFFF086;
	s6 =	sadd.s32 @!p0 s3, s7;
	s7 =	simm.s32 @!p0 $0x108  }
0x21: {  	s3 =	sadd.s32 s3, s9;
	s6 =	sadd.s32 @!p0 $0x88, s6;
	s7 =	simm.s32 @p2 $0x1082  }
0x22: {  	[simem:s7], [sflag:s8] =	dma.local @!p0 [hbm:s6], $0xF7A  }
0x23: {  	s9 =	sor.u32 $0xD0000000, s2;
	s6 =	simm.s32 $0x108;
	_ =	swait.ge @!p0 [sflag:s8], $0x0  }
0x24: {  	s3 =	sadd.s32 $0x88, s3;
	s6 =	simm.s32 @!p1 $0x1082;
	[sflag:s4] =	ssyncset.s32 $0xFFFFF086  }
0x25: {  	[simem:s6], [sflag:s4] =	dma.local [hbm:s3], $0xF7A  }
0x26: {  	[smem:$0x3F9E] =	sst s1;
	(tag) =	ssettag s2;
	_ =	strace s9  }
0x27: {  	s1 =	sld [smem:$0x3FAE]  }
0x28: {  	s2 =	sld [smem:$0x3FAF]  }
0x29: {  	s4 =	sld [smem:$0x3FB1]  }
0x2a: {  	p0 =	seq.s32 s5, $0x0;
	s5 =	sld [smem:$0x3FB2]  }
0x2b: {  	s6 =	sld [smem:$0x3FB3]  }
0x2c: {  	s7 =	sld [smem:$0x3FB4]  }
0x2d: {  	s3 =	simm.s32 $0x108;
	s8 =	sld [smem:$0x3FB5]  }
0x2e: {  	s3 =	simm.s32 @!p0 $0x1082;
	s9 =	sld [smem:$0x3FB6]  }
0x2f: {  	lr =	sadd.s32 s0, s3;
	s0 =	sld [smem:$0x3FAD]  }
0x30: {  	s3 =	sld [smem:$0x3FB0]  }
0x31: {  	[smem:$0x3FB9] =	sst s10  }
0x32: {  	s10 =	sld [smem:$0x3FB7];
	_ =	sdelay $0x3  }
0x33: {  	p0 =	seq.s32 s10, $0x1;
	s10 =	sld [smem:$0x3FB9];
	_ =	sdelay $0x3  }
0x34: {  	[smem:$0x3FB9] =	sst s10  }
0x35: {  	s10 =	sld [smem:$0x3FB8];
	_ =	sdelay $0x3  }
0x36: {  	p1 =	seq.s32 s10, $0x1;
	s10 =	sld [smem:$0x3FB9];
	_ =	sdelay $0x3  }
0x37: {  	[smem:$0x3FB9] =	sst s10  }
0x38: {  	s10 =	sld [smem:$0x3FBA]  }
0x39: {  	_ = 	snop;
	(pc) =	sbr.ind lr, $3  }
0x3a: {  	_ = 	snop  }
0x3b: {  	_ = 	snop  }
0x3c: {  	p2 =	seq.s32 s10, $0x1;
	s10 =	sld [smem:$0x3FB9]  }
0x3d: {  	_ =	shalt  }
0x3e: {  	_ =	shalt  }
0x3f: {  	_ =	shalt  }
0x40: {  	_ =	shalt  }
0x41: {  	_ =	shalt  }
0x42: {  	_ =	shalt  }
0x43: {  	_ =	shalt  }
0x44: {  	_ =	shalt  }
0x45: {  	_ =	shalt  }
0x46: {  	_ =	shalt  }
0x47: {  	_ =	shalt  }
0x48: {  	_ =	shalt  }
0x49: {  	_ =	shalt  }
0x4a: {  	_ =	shalt  }
0x4b: {  	_ =	shalt  }
0x4c: {  	_ =	shalt  }
0x4d: {  	_ =	shalt  }
0x4e: {  	_ =	shalt  }
0x4f: {  	_ =	shalt  }
0x50: {  	_ =	shalt  }
0x51: {  	_ =	shalt  }
0x52: {  	_ =	shalt  }
0x53: {  	_ =	shalt  }
0x54: {  	_ =	shalt  }
0x55: {  	_ =	shalt  }
0x56: {  	_ =	shalt  }
0x57: {  	_ =	shalt  }
0x58: {  	_ =	shalt  }
0x59: {  	_ =	shalt  }
0x5a: {  	_ =	shalt  }
0x5b: {  	_ =	shalt  }
0x5c: {  	_ =	shalt  }
0x5d: {  	_ =	shalt  }
0x5e: {  	_ =	shalt  }
0x5f: {  	_ =	shalt  }
0x60: {  	_ =	shalt  }
0x61: {  	_ =	shalt  }
0x62: {  	_ =	shalt  }
0x63: {  	_ =	shalt  }
0x64: {  	_ =	shalt  }
0x65: {  	_ =	shalt  }
0x66: {  	_ =	shalt  }
0x67: {  	_ =	shalt  }
0x68: {  	_ =	shalt  }
0x69: {  	_ =	shalt  }
0x6a: {  	_ =	shalt  }
0x6b: {  	_ =	shalt  }
0x6c: {  	_ =	shalt  }
0x6d: {  	_ =	shalt  }
0x6e: {  	_ =	shalt  }
0x6f: {  	_ =	shalt  }
0x70: {  	_ =	shalt  }
0x71: {  	_ =	shalt  }
0x72: {  	_ =	shalt  }
0x73: {  	_ =	shalt  }
0x74: {  	_ =	shalt  }
0x75: {  	_ =	shalt  }
0x76: {  	_ =	shalt  }
0x77: {  	_ =	shalt  }
0x78: {  	_ =	shalt  }
0x79: {  	_ =	shalt  }
0x7a: {  	_ =	shalt  }
0x7b: {  	_ =	shalt  }
0x7c: {  	_ =	shalt  }
0x7d: {  	_ =	shalt  }
0x7e: {  	_ =	shalt  }
0x7f: {  	_ =	shalt  }
0x80: {  	_ =	shalt  }
0x81: {  	_ =	shalt  }
0x82: {  	_ =	shalt  }
0x83: {  	_ =	shalt  }
0x84: {  	_ =	shalt  }
0x85: {  	_ =	shalt  }
0x86: {  	_ =	shalt  }
0x87: {  	_ =	shalt  }
.Lfunc_end0:
.L_simem_size_0:
called_computation_lowered:
.L_overlay_start_0:
0x88: {  	s2 =	sld [smem:$0x3FD9]  }
0x89: {  	s3 =	sld [smem:$0x3FFE];
	_ =	sdelay $0x1  }
0x8a: {  	s1 =	srdreg.scid  }
0x8b: {  	s0 =	sand.u32 $0x1, s1  }
0x8c: {  	s17 =	sshll.u32 s0, $0xA;
	s2 =	sadd.s32 s3, s2  }
0x8d: {  	s2 =	sadd.s32 s2, s17  }
0x8e: {  	[smem:$0x3FC5] =	sst s2  }
0x8f: {  	_ = 	snop  }
0x90: {  	s2 =	sld [smem:$0x3FD0];
	(tm) =	ssettm $0x1  }
0x91: {  	s18 =	sld [smem:$0x3FFB];
	_ =	sdelay $0x3  }
0x92: {  	_ =	strace s18  }
0x93: {  	s3 =	sld [smem:$0x3FFC];
	_ =	sdelay $0x3  }
0x94: {  	_ =	strace s3  }
0x95: {  	s3 =	sld [smem:$0x3FFD];
	_ =	sdelay $0x3  }
0x96: {  	_ =	strace s3  }
0x97: {  	_ =	strace $0x8FFFFFFF  }
0x98: {  	s19 =	sld [smem:$0x3FDB];
	_ =	sdelay $0x1  }
0x99: {  	s4 =	simm.s32 $_scs_section_size  }
0x9a: {  	s5 =	simm.s32 $_size__tile_overlayer_lowered;
	s6 =	simm.s32 $_tile_overlayer_lowered  }
0x9b: {  	s22 =	simm.s32 $0x1BFF;
	s21 =	sshll.u32 s6, $0x1;
	s3 =	sadd.s32 s4, s19  }
0x9c: {  	s7 =	simm.s32 $0x0;
	s20 =	sshll.u32 s5, $0x1;
	s5 =	sadd.s32 s21, s3  }
0x9d: {  	[timem:s7], [sflag:s22] =	dma.local [hbm:s5], s20  }
0x9e: {  	_ =	swait.ge [sflag:s22], s20  }
0x9f: {  	s4 =	ssub.s32 $0x0, s20;
	[sflag:s22] =	ssyncset.done $0x0  }
0xa0: {  	[sflag:s22] =	ssyncadd.s32 s4;
	_ =	sdelay $0x1  }
0xa1: {  	s23 =	simm.s32 $0x1B8B  }
0xa2: {  	_ =	swait.ge [sflag:s23], $0x1  }
0xa3: {  	[sflag:s23] =	ssyncset.done $0x0  }
0xa4: {  	s25 =	simm.s32 $0x1B8E;
	s24 =	sld [smem:$0x3FFE];
	[sflag:s23] =	ssyncadd.s32 $0xFFFFFFFF  }
0xa5: {  	s26 =	simm.s32 $execute0_lowered;
	[smem:$0x3FD2] =	sst s25  }
0xa6: {  	s5 =	sshll.u32 s26, $0x1;
	_ =	strace $0x80000046;
	[dreg:$0x1] =	wrdreg $0xFFFFFFFF  }
0xa7: {  	s28 =	simm.s32 $_size_execute0_lowered;
	s3 =	sadd.s32 s3, s5;
	[dreg:$0x0] =	wrdreg $0x0  }
0xa8: {  	s5 =	sshll.u32 s28, $0x1;
	[dreg:$0x2] =	wrdreg s3  }
0xa9: {  	[dreg:$0x3] =	wrdreg s5  }
0xaa: {  	[dreg:$0x4] =	wrdreg $0xC0  }
0xab: {  	_ =	task [dreg:s7], $0x5FFFF  }
0xac: {  	[dreg:$0x1] =	wrdreg $0xFFFFFFFF  }
0xad: {  	[dreg:$0x0] =	wrdreg $0x60  }
0xae: {  	[dreg:$0x2] =	wrdreg s24  }
0xaf: {  	[dreg:$0x3] =	wrdreg s2  }
0xb0: {  	[dreg:$0x4] =	wrdreg $0x9  }
0xb1: {  	_ =	task.clear_ibuf [dreg:s7], $0x5FFFF;
	_ =	strace $0x90000046  }
0xb2: {  	s29 =	simm.s32 $0x9;
	_ =	strace $0x80000048  }
0xb3: {  	_ =	swait.ge [sflag:s29], $0x1  }
0xb4: {  	[sflag:s29] =	ssyncadd.s32 $0xFFFFFFFF  }
0xb5: {  	_ =	strace $0x90000048  }
0xb6: {  	_ =	sfence  }
0xb7: {  	s30 =	sld [smem:$0x0];
	_ =	sdelay $0x2  }
0xb8: {  	s31 =	sshll.u32 s1, $0xD;
	s1 =	sshrl.u32 s1, $0x2  }
0xb9: {  	s3 =	sand.u32 $0x4000, s31;
	s1 =	sadd.s32 s1, s30  }
0xba: {  	s0 =	sor.u32 s3, s0;
	s1 =	sshll.u32 s1, $0x11  }
0xbb: {  	s0 =	sor.u32 s1, s0  }
0xbc: {  	s0 =	sadd.s32 $0x8F2B, s0  }
0xbd: {  	[sflag:s0] =	ssyncadd.remote.s32 $0x1  }
0xbe: {  	_ =	sfence.sel $0xFFFF  }
0xbf: {  	[dreg:$0x0] =	wrdreg $0xFFFFFFFF;
	(pc) =	sbr.abs _section_cstart, $3  }
0xc0: {  	[dreg:$0x1] =	wrdreg $0xFFFFFFFF  }
0xc1: {  	_ =	task.clear_ibuf [dreg:s7], $0x2FFFF;
	_ =	strace $0x9FFFFFFF  }
0xc2: {  	(tm) =	ssettm $0x7FFFFFFF  }
0xc3: {  	_ =	shalt  }
tec
execute0_lowered:
.L_overlay_start_1:
0x0: {  	(tag) =	ssettag $0x1  }
0x1: {  	s1 =	srdreg.scid;
	s0 =	stileid.u32  }
0x2: {  	s1 =	sand.u32 $0x1, s1;
	s2 =	sshll.u32 s0, $0x1  }
0x3: {  	s2 =	sor.u32 s1, s2  }
0x4: {  	s8 =	rddreg [dreg:$0x0];
	s3 =	smul.u32 $0x19000, s2  }
0x5: {  	s29 =	rddreg [dreg:$0x1]  }
0x6: {  	[dreg:$0x6] =	wrdreg s1;
	s2 =	simm.s32 $0x0;
	s28 =	sshrl.u32 s3, $0x3  }
0x7: {  	[smem:$0x7FF] =	sst s2;
	s3 =	sadd.s32 s29, s28  }
0x8: {  	_ =	strace $0x80000047;
	s13 =	sadd.s32 $0x500, s28;
	[dreg:$0x3] =	wrdreg s3  }
0x9: {  	s24 =	sadd.s32 s29, s13;
	s4 =	rddreg [dreg:$0x3]  }
0xa: {  	[dreg:$0x4] =	wrdreg s24  }
0xb: {  	[tilespmem:s2], [sflag:$0x1] =	stream.linear.gather [hbm4b:s4+s2], $0x2800, $0x38;
	[tilespmem:$0xA000] =	vst v63  }
0xc: {  	s3 =	simm.s32 $0x2800;
	s5 =	rddreg [dreg:$0x4];
	s4 =	simm.s32 $0x1  }
0xd: {  	[tilespmem:s3], [sflag:$0x2] =	stream.linear.gather [hbm4b:s5+s2], $0x2800, $0x38;
	[tilespmem:$0xA000] =	vst v63  }
0xe: {  	_ =	swait.ge [sflag:s4], $0x2800  }
0xf: {  	s6 =	simm.s32 $0x5000;
	[sflag:s4] =	ssyncset.done $0x0  }
0x10: {  	s7 =	simm.s32 $0x3;
	s5 =	sadd.s32 $0x1E8800, s8;
	[sflag:s4] =	ssyncadd.s32 $0xFFFFD800  }
0x11: {  	[tilespmem:s6], [sflag:$0x3] =	stream.indirect.gather [hbm4b:s5+s3], $0x1, s2, s3, $0xb8;
	[tilespmem:$0xA000] =	vst v63  }
0x12: {  	_ =	swait.ge [sflag:s7], $0x2800  }
0x13: {  	s31 =	sadd.s32 $0x200, s8;
	[sflag:s7] =	ssyncset.done $0x0  }
0x14: {  	s25 =	sadd.s32 s31, s28;
	s16 =	sadd.s32 $0xA00, s28;
	[sflag:s7] =	ssyncadd.s32 $0xFFFFD800  }
0x15: {  	[hbm4b:s25+s2] =	stream.linear.scatter [tilespmem:s6], [sflag:$0x5], $0x2800, $0x38;
	[tilespmem:$0xA000] =	vst v63  }
0x16: {  	s10 =	simm.s32 $0x2;
	s26 =	sadd.s32 s29, s16;
	[dreg:$0x5] =	wrdreg s25  }
0x17: {  	[tilespmem:s2], [sflag:$0x1] =	stream.linear.gather [hbm4b:s26+s2], $0x2800, $0x38;
	[tilespmem:$0xA000] =	vst v63  }
0x18: {  	_ =	swait.ge [sflag:s10], $0x2800  }
0x19: {  	[sflag:s10] =	ssyncset.done $0x0  }
0x1a: {  	s11 =	simm.s32 $0x7800;
	s12 =	simm.s32 $0x4;
	[sflag:s10] =	ssyncadd.s32 $0xFFFFD800  }
0x1b: {  	[tilespmem:s11], [sflag:$0x4] =	stream.indirect.gather [hbm4b:s5+s3], $0x1, s3, s3, $0xb8;
	[tilespmem:$0xA000] =	vst v63  }
0x1c: {  	_ =	swait.ge [sflag:s12], $0x2800  }
0x1d: {  	[sflag:s12] =	ssyncset.done $0x0  }
0x1e: {  	s19 =	sadd.s32 $0xF00, s28;
	s13 =	sadd.s32 s31, s13;
	[sflag:s12] =	ssyncadd.s32 $0xFFFFD800  }
0x1f: {  	[hbm4b:s13+s2] =	stream.linear.scatter [tilespmem:s11], [sflag:$0x6], $0x2800, $0x38;
	[tilespmem:$0xA000] =	vst v63  }
0x20: {  	s14 =	sadd.s32 s29, s19  }
0x21: {  	[tilespmem:s3], [sflag:$0x2] =	stream.linear.gather [hbm4b:s14+s2], $0x2800, $0x38;
	[tilespmem:$0xA000] =	vst v63  }
0x22: {  	_ =	swait.ge [sflag:s4], $0x2800  }
0x23: {  	[sflag:s4] =	ssyncset.done $0x0  }
0x24: {  	s15 =	simm.s32 $0x5;
	[sflag:s4] =	ssyncadd.s32 $0xFFFFD800  }
0x25: {  	_ =	swait.ge [sflag:s15], $0x2800  }
0x26: {  	[sflag:s15] =	ssyncset.done $0x0  }
0x27: {  	[sflag:s15] =	ssyncadd.s32 $0xFFFFD800  }
0x28: {  	[tilespmem:s6], [sflag:$0x3] =	stream.indirect.gather [hbm4b:s5+s3], $0x1, s2, s3, $0xb8;
	[tilespmem:$0xA000] =	vst v63  }
0x29: {  	_ =	swait.ge [sflag:s7], $0x2800  }
0x2a: {  	[sflag:s7] =	ssyncset.done $0x0  }
0x2b: {  	s21 =	sadd.s32 $0x1400, s28;
	s16 =	sadd.s32 s31, s16;
	[sflag:s7] =	ssyncadd.s32 $0xFFFFD800  }
0x2c: {  	[hbm4b:s16+s2] =	stream.linear.scatter [tilespmem:s6], [sflag:$0x5], $0x2800, $0x38;
	[tilespmem:$0xA000] =	vst v63  }
0x2d: {  	s17 =	sadd.s32 s29, s21  }
0x2e: {  	[tilespmem:s2], [sflag:$0x1] =	stream.linear.gather [hbm4b:s17+s2], $0x2800, $0x38;
	[tilespmem:$0xA000] =	vst v63  }
0x2f: {  	_ =	swait.ge [sflag:s10], $0x2800  }
0x30: {  	[sflag:s10] =	ssyncset.done $0x0  }
0x31: {  	s18 =	simm.s32 $0x6;
	[sflag:s10] =	ssyncadd.s32 $0xFFFFD800  }
0x32: {  	_ =	swait.ge [sflag:s18], $0x2800  }
0x33: {  	[sflag:s18] =	ssyncset.done $0x0  }
0x34: {  	[sflag:s18] =	ssyncadd.s32 $0xFFFFD800  }
0x35: {  	[tilespmem:s11], [sflag:$0x4] =	stream.indirect.gather [hbm4b:s5+s3], $0x1, s3, s3, $0xb8;
	[tilespmem:$0xA000] =	vst v63  }
0x36: {  	_ =	swait.ge [sflag:s12], $0x2800  }
0x37: {  	[sflag:s12] =	ssyncset.done $0x0  }
0x38: {  	s23 =	sadd.s32 $0x1900, s28;
	s19 =	sadd.s32 s31, s19;
	[sflag:s12] =	ssyncadd.s32 $0xFFFFD800  }
0x39: {  	[hbm4b:s19+s2] =	stream.linear.scatter [tilespmem:s11], [sflag:$0x6], $0x2800, $0x38;
	[tilespmem:$0xA000] =	vst v63  }
0x3a: {  	s20 =	sadd.s32 s29, s23  }
0x3b: {  	[tilespmem:s3], [sflag:$0x2] =	stream.linear.gather [hbm4b:s20+s2], $0x2800, $0x38;
	[tilespmem:$0xA000] =	vst v63  }
0x3c: {  	_ =	swait.ge [sflag:s4], $0x2800  }
0x3d: {  	[sflag:s4] =	ssyncset.done $0x0  }
0x3e: {  	[sflag:s4] =	ssyncadd.s32 $0xFFFFD800  }
0x3f: {  	_ =	swait.ge [sflag:s15], $0x2800  }
0x40: {  	[sflag:s15] =	ssyncset.done $0x0  }
0x41: {  	[sflag:s15] =	ssyncadd.s32 $0xFFFFD800  }
0x42: {  	[tilespmem:s6], [sflag:$0x3] =	stream.indirect.gather [hbm4b:s5+s3], $0x1, s2, s3, $0xb8;
	[tilespmem:$0xA000] =	vst v63  }
0x43: {  	_ =	swait.ge [sflag:s7], $0x2800  }
0x44: {  	[sflag:s7] =	ssyncset.done $0x0  }
0x45: {  	s21 =	sadd.s32 s31, s21;
	s25 =	sadd.s32 $0x1E00, s28;
	[sflag:s7] =	ssyncadd.s32 $0xFFFFD800  }
0x46: {  	[hbm4b:s21+s2] =	stream.linear.scatter [tilespmem:s6], [sflag:$0x5], $0x2800, $0x38;
	[tilespmem:$0xA000] =	vst v63  }
0x47: {  	s22 =	sadd.s32 s29, s25  }
0x48: {  	[tilespmem:s2], [sflag:$0x1] =	stream.linear.gather [hbm4b:s22+s2], $0x2800, $0x38;
	[tilespmem:$0xA000] =	vst v63  }
0x49: {  	_ =	swait.ge [sflag:s10], $0x2800  }
0x4a: {  	[sflag:s10] =	ssyncset.done $0x0  }
0x4b: {  	[sflag:s10] =	ssyncadd.s32 $0xFFFFD800  }
0x4c: {  	_ =	swait.ge [sflag:s18], $0x2800  }
0x4d: {  	[sflag:s18] =	ssyncset.done $0x0  }
0x4e: {  	[sflag:s18] =	ssyncadd.s32 $0xFFFFD800  }
0x4f: {  	[tilespmem:s11], [sflag:$0x4] =	stream.indirect.gather [hbm4b:s5+s3], $0x1, s3, s3, $0xb8;
	[tilespmem:$0xA000] =	vst v63  }
0x50: {  	_ =	swait.ge [sflag:s12], $0x2800  }
0x51: {  	[sflag:s12] =	ssyncset.done $0x0  }
0x52: {  	s30 =	sadd.s32 $0x2300, s28;
	s23 =	sadd.s32 s31, s23;
	[sflag:s12] =	ssyncadd.s32 $0xFFFFD800  }
0x53: {  	[hbm4b:s23+s2] =	stream.linear.scatter [tilespmem:s11], [sflag:$0x6], $0x2800, $0x38;
	[tilespmem:$0xA000] =	vst v63  }
0x54: {  	s24 =	sadd.s32 s29, s30  }
0x55: {  	[tilespmem:s3], [sflag:$0x2] =	stream.linear.gather [hbm4b:s24+s2], $0x2800, $0x38;
	[tilespmem:$0xA000] =	vst v63  }
0x56: {  	_ =	swait.ge [sflag:s4], $0x2800  }
0x57: {  	[sflag:s4] =	ssyncset.done $0x0  }
0x58: {  	[sflag:s4] =	ssyncadd.s32 $0xFFFFD800  }
0x59: {  	_ =	swait.ge [sflag:s15], $0x2800  }
0x5a: {  	[sflag:s15] =	ssyncset.done $0x0  }
0x5b: {  	[sflag:s15] =	ssyncadd.s32 $0xFFFFD800  }
0x5c: {  	[tilespmem:s6], [sflag:$0x3] =	stream.indirect.gather [hbm4b:s5+s3], $0x1, s2, s3, $0xb8;
	[tilespmem:$0xA000] =	vst v63  }
0x5d: {  	_ =	swait.ge [sflag:s7], $0x2800  }
0x5e: {  	[sflag:s7] =	ssyncset.done $0x0  }
0x5f: {  	s1 =	sadd.s32 $0x2800, s28;
	s25 =	sadd.s32 s31, s25;
	[sflag:s7] =	ssyncadd.s32 $0xFFFFD800  }
0x60: {  	[hbm4b:s25+s2] =	stream.linear.scatter [tilespmem:s6], [sflag:$0x5], $0x2800, $0x38;
	[tilespmem:$0xA000] =	vst v63  }
0x61: {  	s9 =	smov.u32 s26;
	s26 =	sadd.s32 s29, s1  }
0x62: {  	[tilespmem:s2], [sflag:$0x1] =	stream.linear.gather [hbm4b:s26+s2], $0x2800, $0x38;
	[tilespmem:$0xA000] =	vst v63  }
0x63: {  	_ =	swait.ge [sflag:s10], $0x2800  }
0x64: {  	[sflag:s10] =	ssyncset.done $0x0  }
0x65: {  	[sflag:s10] =	ssyncadd.s32 $0xFFFFD800  }
0x66: {  	_ =	swait.ge [sflag:s18], $0x2800  }
0x67: {  	[sflag:s18] =	ssyncset.done $0x0  }
0x68: {  	[sflag:s18] =	ssyncadd.s32 $0xFFFFD800  }
0x69: {  	[tilespmem:s11], [sflag:$0x4] =	stream.indirect.gather [hbm4b:s5+s3], $0x1, s3, s3, $0xb8;
	[tilespmem:$0xA000] =	vst v63  }
0x6a: {  	_ =	swait.ge [sflag:s12], $0x2800  }
0x6b: {  	[sflag:s12] =	ssyncset.done $0x0  }
0x6c: {  	s8 =	sadd.s32 $0x2D00, s28;
	s28 =	sadd.s32 s31, s30;
	[sflag:s12] =	ssyncadd.s32 $0xFFFFD800  }
0x6d: {  	[hbm4b:s28+s2] =	stream.linear.scatter [tilespmem:s11], [sflag:$0x6], $0x2800, $0x38;
	[tilespmem:$0xA000] =	vst v63  }
0x6e: {  	s29 =	sadd.s32 s29, s8  }
0x6f: {  	[tilespmem:s3], [sflag:$0x2] =	stream.linear.gather [hbm4b:s29+s2], $0x2800, $0x38;
	[tilespmem:$0xA000] =	vst v63  }
0x70: {  	_ =	swait.ge [sflag:s4], $0x2800  }
0x71: {  	[sflag:s4] =	ssyncset.done $0x0  }
0x72: {  	[sflag:s4] =	ssyncadd.s32 $0xFFFFD800  }
0x73: {  	_ =	swait.ge [sflag:s15], $0x2800  }
0x74: {  	[sflag:s15] =	ssyncset.done $0x0  }
0x75: {  	[sflag:s15] =	ssyncadd.s32 $0xFFFFD800  }
0x76: {  	[tilespmem:s6], [sflag:$0x3] =	stream.indirect.gather [hbm4b:s5+s3], $0x1, s2, s3, $0xb8;
	[tilespmem:$0xA000] =	vst v63  }
0x77: {  	_ =	swait.ge [sflag:s7], $0x2800  }
0x78: {  	[sflag:s7] =	ssyncset.done $0x0  }
0x79: {  	s30 =	sadd.s32 s31, s1;
	[sflag:s7] =	ssyncadd.s32 $0xFFFFD800  }
0x7a: {  	[hbm4b:s30+s2] =	stream.linear.scatter [tilespmem:s6], [sflag:$0x5], $0x2800, $0x38;
	[tilespmem:$0xA000] =	vst v63  }
0x7b: {  	_ =	swait.ge [sflag:s10], $0x2800  }
0x7c: {  	[sflag:s10] =	ssyncset.done $0x0  }
0x7d: {  	[sflag:s10] =	ssyncadd.s32 $0xFFFFD800  }
0x7e: {  	_ =	swait.ge [sflag:s18], $0x2800  }
0x7f: {  	[sflag:s18] =	ssyncset.done $0x0  }
0x80: {  	[sflag:s18] =	ssyncadd.s32 $0xFFFFD800  }
0x81: {  	[tilespmem:s11], [sflag:$0x4] =	stream.indirect.gather [hbm4b:s5+s3], $0x1, s3, s3, $0xb8;
	[tilespmem:$0xA000] =	vst v63  }
0x82: {  	_ =	swait.ge [sflag:s12], $0x2800  }
0x83: {  	[sflag:s12] =	ssyncset.done $0x0;
	s1 =	rddreg [dreg:$0x6]  }
0x84: {  	s31 =	sadd.s32 s31, s8;
	s0 =	ssub.s32 $0x2, s1;
	[sflag:s12] =	ssyncadd.s32 $0xFFFFD800  }
0x85: {  	[hbm4b:s31+s2] =	stream.linear.scatter [tilespmem:s11], [sflag:$0x6], $0x2800, $0x38;
	[tilespmem:$0xA000] =	vst v63  }
0x86: {  	s8 =	sshrl.u32 s0, $0x1  }
0x87: {  	s0 =	ssub.s32 s0, s8  }
0x88: {  	s0 =	smax.u32 s0, $0x1  }
0x89: {  	p0 =	sne.s32 s0, $0x1  }
.Ltmp0:
0x8a: {  	_ =	swait.ge [sflag:s15], $0x2800;
	(pc) =	sbr.rel @!p0 .LBB2_2-.Ltmp0, $4  }
0x8b: {  	[sflag:s15] =	ssyncset.done $0x0  }
0x8c: {  	[sflag:s15] =	ssyncadd.s32 $0xFFFFD800  }
0x8d: {  	_ =	swait.ge [sflag:s18], $0x2800  }
0x8e: {  	s1 =	sadd.s32 $0xFFFFFFFF, s0;
	[sflag:s18] =	ssyncset.done $0x0  }
.LBB2_1:
0x8f: {  	s0 =	rddreg [dreg:$0x3];
	[sflag:s18] =	ssyncadd.s32 $0xFFFFD800  }
0x90: {  	[tilespmem:s2], [sflag:$0x1] =	stream.linear.gather [hbm4b:s0+s2], $0x2800, $0x38;
	[tilespmem:$0xA000] =	vst v63  }
0x91: {  	s8 =	rddreg [dreg:$0x4]  }
0x92: {  	[tilespmem:s3], [sflag:$0x2] =	stream.linear.gather [hbm4b:s8+s2], $0x2800, $0x38;
	[tilespmem:$0xA000] =	vst v63  }
0x93: {  	_ =	swait.ge [sflag:s4], $0x2800  }
0x94: {  	[sflag:s4] =	ssyncset.done $0x0  }
0x95: {  	[sflag:s4] =	ssyncadd.s32 $0xFFFFD800  }
0x96: {  	[tilespmem:s6], [sflag:$0x3] =	stream.indirect.gather [hbm4b:s5+s3], $0x1, s2, s3, $0xb8;
	[tilespmem:$0xA000] =	vst v63  }
0x97: {  	_ =	swait.ge [sflag:s7], $0x2800  }
0x98: {  	[sflag:s7] =	ssyncset.done $0x0  }
0x99: {  	s8 =	rddreg [dreg:$0x5];
	[sflag:s7] =	ssyncadd.s32 $0xFFFFD800  }
0x9a: {  	[hbm4b:s8+s2] =	stream.linear.scatter [tilespmem:s6], [sflag:$0x5], $0x2800, $0x38;
	[tilespmem:$0xA000] =	vst v63  }
0x9b: {  	_ = 	snop  }
0x9c: {  	[tilespmem:s2], [sflag:$0x1] =	stream.linear.gather [hbm4b:s9+s2], $0x2800, $0x38;
	[tilespmem:$0xA000] =	vst v63  }
0x9d: {  	_ =	swait.ge [sflag:s10], $0x2800  }
0x9e: {  	[sflag:s10] =	ssyncset.done $0x0  }
0x9f: {  	[sflag:s10] =	ssyncadd.s32 $0xFFFFD800  }
0xa0: {  	[tilespmem:s11], [sflag:$0x4] =	stream.indirect.gather [hbm4b:s5+s3], $0x1, s3, s3, $0xb8;
	[tilespmem:$0xA000] =	vst v63  }
0xa1: {  	_ =	swait.ge [sflag:s12], $0x2800  }
0xa2: {  	[sflag:s12] =	ssyncset.done $0x0  }
0xa3: {  	[sflag:s12] =	ssyncadd.s32 $0xFFFFD800  }
0xa4: {  	[hbm4b:s13+s2] =	stream.linear.scatter [tilespmem:s11], [sflag:$0x6], $0x2800, $0x38;
	[tilespmem:$0xA000] =	vst v63  }
0xa5: {  	_ = 	snop  }
0xa6: {  	[tilespmem:s3], [sflag:$0x2] =	stream.linear.gather [hbm4b:s14+s2], $0x2800, $0x38;
	[tilespmem:$0xA000] =	vst v63  }
0xa7: {  	_ =	swait.ge [sflag:s4], $0x2800  }
0xa8: {  	[sflag:s4] =	ssyncset.done $0x0  }
0xa9: {  	[sflag:s4] =	ssyncadd.s32 $0xFFFFD800  }
0xaa: {  	_ =	swait.ge [sflag:s15], $0x2800  }
0xab: {  	[sflag:s15] =	ssyncset.done $0x0  }
0xac: {  	[sflag:s15] =	ssyncadd.s32 $0xFFFFD800  }
0xad: {  	[tilespmem:s6], [sflag:$0x3] =	stream.indirect.gather [hbm4b:s5+s3], $0x1, s2, s3, $0xb8;
	[tilespmem:$0xA000] =	vst v63  }
0xae: {  	_ =	swait.ge [sflag:s7], $0x2800  }
0xaf: {  	[sflag:s7] =	ssyncset.done $0x0  }
0xb0: {  	[sflag:s7] =	ssyncadd.s32 $0xFFFFD800  }
0xb1: {  	[hbm4b:s16+s2] =	stream.linear.scatter [tilespmem:s6], [sflag:$0x5], $0x2800, $0x38;
	[tilespmem:$0xA000] =	vst v63  }
0xb2: {  	_ = 	snop  }
0xb3: {  	[tilespmem:s2], [sflag:$0x1] =	stream.linear.gather [hbm4b:s17+s2], $0x2800, $0x38;
	[tilespmem:$0xA000] =	vst v63  }
0xb4: {  	_ =	swait.ge [sflag:s10], $0x2800  }
0xb5: {  	[sflag:s10] =	ssyncset.done $0x0  }
0xb6: {  	[sflag:s10] =	ssyncadd.s32 $0xFFFFD800  }
0xb7: {  	_ =	swait.ge [sflag:s18], $0x2800  }
0xb8: {  	[sflag:s18] =	ssyncset.done $0x0  }
0xb9: {  	[sflag:s18] =	ssyncadd.s32 $0xFFFFD800  }
0xba: {  	[tilespmem:s11], [sflag:$0x4] =	stream.indirect.gather [hbm4b:s5+s3], $0x1, s3, s3, $0xb8;
	[tilespmem:$0xA000] =	vst v63  }
0xbb: {  	_ =	swait.ge [sflag:s12], $0x2800  }
0xbc: {  	[sflag:s12] =	ssyncset.done $0x0  }
0xbd: {  	[sflag:s12] =	ssyncadd.s32 $0xFFFFD800  }
0xbe: {  	[hbm4b:s19+s2] =	stream.linear.scatter [tilespmem:s11], [sflag:$0x6], $0x2800, $0x38;
	[tilespmem:$0xA000] =	vst v63  }
0xbf: {  	_ = 	snop  }
0xc0: {  	[tilespmem:s3], [sflag:$0x2] =	stream.linear.gather [hbm4b:s20+s2], $0x2800, $0x38;
	[tilespmem:$0xA000] =	vst v63  }
0xc1: {  	_ =	swait.ge [sflag:s4], $0x2800  }
0xc2: {  	[sflag:s4] =	ssyncset.done $0x0  }
0xc3: {  	[sflag:s4] =	ssyncadd.s32 $0xFFFFD800  }
0xc4: {  	_ =	swait.ge [sflag:s15], $0x2800  }
0xc5: {  	[sflag:s15] =	ssyncset.done $0x0  }
0xc6: {  	[sflag:s15] =	ssyncadd.s32 $0xFFFFD800  }
0xc7: {  	[tilespmem:s6], [sflag:$0x3] =	stream.indirect.gather [hbm4b:s5+s3], $0x1, s2, s3, $0xb8;
	[tilespmem:$0xA000] =	vst v63  }
0xc8: {  	_ =	swait.ge [sflag:s7], $0x2800  }
0xc9: {  	[sflag:s7] =	ssyncset.done $0x0  }
0xca: {  	[sflag:s7] =	ssyncadd.s32 $0xFFFFD800  }
0xcb: {  	[hbm4b:s21+s2] =	stream.linear.scatter [tilespmem:s6], [sflag:$0x5], $0x2800, $0x38;
	[tilespmem:$0xA000] =	vst v63  }
0xcc: {  	_ = 	snop  }
0xcd: {  	[tilespmem:s2], [sflag:$0x1] =	stream.linear.gather [hbm4b:s22+s2], $0x2800, $0x38;
	[tilespmem:$0xA000] =	vst v63  }
0xce: {  	_ =	swait.ge [sflag:s10], $0x2800  }
0xcf: {  	[sflag:s10] =	ssyncset.done $0x0  }
0xd0: {  	[sflag:s10] =	ssyncadd.s32 $0xFFFFD800  }
0xd1: {  	_ =	swait.ge [sflag:s18], $0x2800  }
0xd2: {  	[sflag:s18] =	ssyncset.done $0x0  }
0xd3: {  	[sflag:s18] =	ssyncadd.s32 $0xFFFFD800  }
0xd4: {  	[tilespmem:s11], [sflag:$0x4] =	stream.indirect.gather [hbm4b:s5+s3], $0x1, s3, s3, $0xb8;
	[tilespmem:$0xA000] =	vst v63  }
0xd5: {  	_ =	swait.ge [sflag:s12], $0x2800  }
0xd6: {  	[sflag:s12] =	ssyncset.done $0x0  }
0xd7: {  	[sflag:s12] =	ssyncadd.s32 $0xFFFFD800  }
0xd8: {  	[hbm4b:s23+s2] =	stream.linear.scatter [tilespmem:s11], [sflag:$0x6], $0x2800, $0x38;
	[tilespmem:$0xA000] =	vst v63  }
0xd9: {  	_ = 	snop  }
0xda: {  	[tilespmem:s3], [sflag:$0x2] =	stream.linear.gather [hbm4b:s24+s2], $0x2800, $0x38;
	[tilespmem:$0xA000] =	vst v63  }
0xdb: {  	_ =	swait.ge [sflag:s4], $0x2800  }
0xdc: {  	[sflag:s4] =	ssyncset.done $0x0  }
0xdd: {  	[sflag:s4] =	ssyncadd.s32 $0xFFFFD800  }
0xde: {  	_ =	swait.ge [sflag:s15], $0x2800  }
0xdf: {  	[sflag:s15] =	ssyncset.done $0x0  }
0xe0: {  	[sflag:s15] =	ssyncadd.s32 $0xFFFFD800  }
0xe1: {  	[tilespmem:s6], [sflag:$0x3] =	stream.indirect.gather [hbm4b:s5+s3], $0x1, s2, s3, $0xb8;
	[tilespmem:$0xA000] =	vst v63  }
0xe2: {  	_ =	swait.ge [sflag:s7], $0x2800  }
0xe3: {  	[sflag:s7] =	ssyncset.done $0x0  }
0xe4: {  	[sflag:s7] =	ssyncadd.s32 $0xFFFFD800  }
0xe5: {  	[hbm4b:s25+s2] =	stream.linear.scatter [tilespmem:s6], [sflag:$0x5], $0x2800, $0x38;
	[tilespmem:$0xA000] =	vst v63  }
0xe6: {  	_ = 	snop  }
0xe7: {  	[tilespmem:s2], [sflag:$0x1] =	stream.linear.gather [hbm4b:s26+s2], $0x2800, $0x38;
	[tilespmem:$0xA000] =	vst v63  }
0xe8: {  	_ =	swait.ge [sflag:s10], $0x2800  }
0xe9: {  	[sflag:s10] =	ssyncset.done $0x0  }
0xea: {  	[sflag:s10] =	ssyncadd.s32 $0xFFFFD800  }
0xeb: {  	_ =	swait.ge [sflag:s18], $0x2800  }
0xec: {  	[sflag:s18] =	ssyncset.done $0x0  }
0xed: {  	[sflag:s18] =	ssyncadd.s32 $0xFFFFD800  }
0xee: {  	[tilespmem:s11], [sflag:$0x4] =	stream.indirect.gather [hbm4b:s5+s3], $0x1, s3, s3, $0xb8;
	[tilespmem:$0xA000] =	vst v63  }
0xef: {  	_ =	swait.ge [sflag:s12], $0x2800  }
0xf0: {  	[sflag:s12] =	ssyncset.done $0x0  }
0xf1: {  	[sflag:s12] =	ssyncadd.s32 $0xFFFFD800  }
0xf2: {  	[hbm4b:s28+s2] =	stream.linear.scatter [tilespmem:s11], [sflag:$0x6], $0x2800, $0x38;
	[tilespmem:$0xA000] =	vst v63  }
0xf3: {  	_ = 	snop  }
0xf4: {  	[tilespmem:s3], [sflag:$0x2] =	stream.linear.gather [hbm4b:s29+s2], $0x2800, $0x38;
	[tilespmem:$0xA000] =	vst v63  }
0xf5: {  	_ =	swait.ge [sflag:s4], $0x2800  }
0xf6: {  	[sflag:s4] =	ssyncset.done $0x0  }
0xf7: {  	[sflag:s4] =	ssyncadd.s32 $0xFFFFD800  }
0xf8: {  	_ =	swait.ge [sflag:s15], $0x2800  }
0xf9: {  	[sflag:s15] =	ssyncset.done $0x0  }
0xfa: {  	[sflag:s15] =	ssyncadd.s32 $0xFFFFD800  }
0xfb: {  	[tilespmem:s6], [sflag:$0x3] =	stream.indirect.gather [hbm4b:s5+s3], $0x1, s2, s3, $0xb8;
	[tilespmem:$0xA000] =	vst v63  }
0xfc: {  	_ =	swait.ge [sflag:s7], $0x2800  }
0xfd: {  	[sflag:s7] =	ssyncset.done $0x0  }
0xfe: {  	[sflag:s7] =	ssyncadd.s32 $0xFFFFD800  }
0xff: {  	[hbm4b:s30+s2] =	stream.linear.scatter [tilespmem:s6], [sflag:$0x5], $0x2800, $0x38;
	[tilespmem:$0xA000] =	vst v63  }
0x100: {  	_ =	swait.ge [sflag:s10], $0x2800  }
0x101: {  	[sflag:s10] =	ssyncset.done $0x0  }
0x102: {  	[sflag:s10] =	ssyncadd.s32 $0xFFFFD800  }
0x103: {  	_ =	swait.ge [sflag:s18], $0x2800  }
0x104: {  	[sflag:s18] =	ssyncset.done $0x0  }
0x105: {  	[sflag:s18] =	ssyncadd.s32 $0xFFFFD800  }
0x106: {  	[tilespmem:s11], [sflag:$0x4] =	stream.indirect.gather [hbm4b:s5+s3], $0x1, s3, s3, $0xb8;
	[tilespmem:$0xA000] =	vst v63  }
0x107: {  	_ =	swait.ge [sflag:s12], $0x2800  }
0x108: {  	[sflag:s12] =	ssyncset.done $0x0  }
0x109: {  	p0 =	sne.s32 s1, $0x1;
	[sflag:s12] =	ssyncadd.s32 $0xFFFFD800  }
0x10a: {  	[hbm4b:s31+s2] =	stream.linear.scatter [tilespmem:s11], [sflag:$0x6], $0x2800, $0x38;
	[tilespmem:$0xA000] =	vst v63  }
.Ltmp1:
0x10b: {  	_ =	swait.ge [sflag:s15], $0x2800;
	(pc) =	sbr.rel @p0 .LBB2_1-.Ltmp1, $4  }
0x10c: {  	[sflag:s15] =	ssyncset.done $0x0  }
0x10d: {  	[sflag:s15] =	ssyncadd.s32 $0xFFFFD800  }
0x10e: {  	_ =	swait.ge [sflag:s18], $0x2800  }
0x10f: {  	s1 =	sadd.s32 $0xFFFFFFFF, s1;
	[sflag:s18] =	ssyncset.done $0x0  }
.LBB2_2:
0x110: {  	[sflag:s18] =	ssyncadd.s32 $0xFFFFD800  }
0x111: {  	_ =	sfence.sel $0x180000  }
0x112: {  	[bflag:$0x0] =	sbarrier.arrive $0xFFFF  }
0x113: {  	_ =	strace $0x90000047  }
0x114: {  	s0 =	stileid.u32;
	[bflag:$0x2] =	sbarrier.arrive $0xFFFF  }
0x115: {  	p0 =	sne.s32 s0, $0x0;
	s0 =	rddreg [dreg:$0x2]  }
0x116: {  	s0 =	sadd.s32 @!p0 $0x100000, s0  }
0x117: {  	[sflag:s0] =	ssyncadd.tile.s32 @!p0 $0x1;
	_ =	shalt  }
.Lfunc_end2:
_tile_overlayer_lowered:
.L_overlay_start_2:
0x118: {  	(tag) =	ssettag $0x2  }
0x119: {  	s0 =	rddreg [dreg:$0x0];
	s2 =	stileid.u32  }
0x11a: {  	s1 =	rddreg [dreg:$0x1];
	p0 =	sne.s32 s2, $0x0  }
0x11b: {  	s3 =	rddreg [dreg:$0x2];
	[bflag:$0x3] =	sbarrier.arrive $0xFFFF;
	s2 =	simm.s32 @!p0 $0x1C07  }
0x11c: {  	[timem:s3], [sflag:s2] =	dma.local @!p0 [hbm:s0], s1  }
0x11d: {  	s0 =	simm.s32 @!p0 $0x7  }
0x11e: {  	_ =	swait.ge @!p0 [sflag:s0], s1  }
0x11f: {  	s1 =	ssub.s32 @!p0 $0x0, s1;
	[sflag:s0] =	ssyncset.done @!p0 $0x0  }
0x120: {  	[sflag:s0] =	ssyncadd.s32 @!p0 s1  }
0x121: {  	[bflag:$0x3] =	sbarrier.arrive $0xFFFF  }
0x122: {  	_ =	shalt  }

</sc_bundles>
